<compile_context>
chip_gen: v7x
topology: tpu7x:2x2x1
jax: 0.10.2.dev20260603
libtpu: 0.0.44.dev20260713+nightly
codegen_flags: <defaults>
</compile_context>

<pallas_src>
import functools

import jax
import jax.numpy as jnp
from jax import lax
from jax.experimental import pallas as pl
from jax.experimental.pallas import tpu as pltpu
from jax.experimental.pallas import tpu_sc as plsc

D_MODEL_K = 1024
HALF_K = 512
PNUM_K = 8192
PLEN_K = 64
SEQ_K = 2048
SIM_K = 64
B_K = 16
NPATCH_K = SEQ_K // PLEN_K


def _topk_body(scores_in_ref, idx_ref, scores_ref):
    scores_ref[...] = scores_in_ref[...]
    iota_l = lax.broadcasted_iota(jnp.int32, (NPATCH_K, PNUM_K), 1)
    col_k = lax.broadcasted_iota(jnp.int32, (NPATCH_K, SIM_K), 1)

    def body(k, acc):
        s = scores_ref[...]
        m = jnp.max(s, axis=1, keepdims=True)
        cand = jnp.where(s == m, iota_l, jnp.int32(2 ** 30))
        amin = jnp.min(cand, axis=1, keepdims=True)
        scores_ref[...] = jnp.where(iota_l == amin, -jnp.inf, s)
        return jnp.where(col_k == k, amin, acc)

    idx_ref[...] = lax.fori_loop(0, SIM_K, body,
                                 jnp.zeros((NPATCH_K, SIM_K), jnp.int32))


def _run_topk(scores):
    return pl.pallas_call(
        _topk_body,
        out_shape=jax.ShapeDtypeStruct((NPATCH_K, SIM_K), jnp.int32),
        scratch_shapes=[pltpu.VMEM((NPATCH_K, PNUM_K), jnp.float32)],
    )(scores)


_NC = 2
_NS = 16
_NW = _NC * _NS
_ROWS = NPATCH_K * SIM_K
_RPW = _ROWS // _NW


def _sc_gather_body(table_hbm, idx_hbm, out_hbm, idx_v, rows_v, sem):
    wid = lax.axis_index("s") * _NC + lax.axis_index("c")
    base = wid * _RPW
    pltpu.sync_copy(idx_hbm.at[pl.ds(base, _RPW)], idx_v)
    pltpu.async_copy(table_hbm.at[idx_v], rows_v, sem).wait()
    pltpu.sync_copy(rows_v, out_hbm.at[pl.ds(base, _RPW)])


def _run_sc_gather(pool_pad, idx_flat):
    mesh = plsc.VectorSubcoreMesh(core_axis_name="c", subcore_axis_name="s")
    f = functools.partial(
        pl.kernel, mesh=mesh,
        out_type=jax.ShapeDtypeStruct((_ROWS, 128), jnp.float32),
        scratch_types=[
            pltpu.VMEM((_RPW,), jnp.int32),
            pltpu.VMEM((_RPW, 128), jnp.float32),
            pltpu.SemaphoreType.DMA,
        ],
    )(_sc_gather_body)
    return f(pool_pad, idx_flat)


_KBLK = 4096
_KSTEPS = (PLEN_K * D_MODEL_K) // _KBLK


def _fuse_body(x_ref, w_ref, bf_ref, o_ref, acc_ref):
    k = pl.program_id(0)

    @pl.when(k == 0)
    def _():
        acc_ref[...] = jnp.zeros_like(acc_ref)

    acc_ref[...] += lax.dot_general(
        x_ref[...], w_ref[...], (((1,), (1,)), ((), ())),
        preferred_element_type=jnp.float32)

    @pl.when(k == _KSTEPS - 1)
    def _():
        t = acc_ref[...] + bf_ref[...]
        m = jnp.max(t, axis=1, keepdims=True)
        e = jnp.exp(t - m)
        o_ref[...] = e / jnp.sum(e, axis=1, keepdims=True)


def _run_fuse(xfull, wfp, bf):
    nrows = B_K * NPATCH_K
    return pl.pallas_call(
        _fuse_body,
        grid=(_KSTEPS,),
        in_specs=[
            pl.BlockSpec((nrows, _KBLK), lambda k: (0, k)),
            pl.BlockSpec((SIM_K, _KBLK), lambda k: (0, k)),
            pl.BlockSpec((1, SIM_K), lambda k: (0, 0)),
        ],
        out_specs=pl.BlockSpec((nrows, SIM_K), lambda k: (0, 0)),
        out_shape=jax.ShapeDtypeStruct((nrows, SIM_K), jnp.float32),
        scratch_shapes=[pltpu.VMEM((nrows, SIM_K), jnp.float32)],
    )(xfull, wfp, bf)


def _out_body(src_ref, ksm_ref, selt_ref, wrec_ref, brec_ref,
              out_ref, pad_ref):
    out_ref[:, :, 0:HALF_K] = src_ref[:, :, 0:HALF_K]
    key = ksm_ref[0]
    st = selt_ref[0]
    m = key[:, None, :] * st[None, :, :]
    mm = m.reshape(B_K * PLEN_K, SIM_K)
    r = lax.dot_general(mm, wrec_ref[...], (((1,), (1,)), ((), ())),
                        preferred_element_type=jnp.float32)
    r = r + brec_ref[...]
    out_ref[:, :, HALF_K:D_MODEL_K] = r.reshape(B_K, PLEN_K, HALF_K)
    pad_ref[0] = lax.dot_general(key, st, (((1,), (1,)), ((), ())),
                                 preferred_element_type=jnp.float32)


def _run_out(src, ksmt, selt, wrec, brec):
    return pl.pallas_call(
        _out_body,
        grid=(NPATCH_K,),
        in_specs=[
            pl.BlockSpec((B_K, PLEN_K, D_MODEL_K), lambda i: (0, i, 0)),
            pl.BlockSpec((1, B_K, SIM_K), lambda i: (i, 0, 0)),
            pl.BlockSpec((1, PLEN_K, SIM_K), lambda i: (i, 0, 0)),
            pl.BlockSpec((HALF_K, SIM_K), lambda i: (0, 0)),
            pl.BlockSpec((1, HALF_K), lambda i: (0, 0)),
        ],
        out_specs=[
            pl.BlockSpec((B_K, PLEN_K, D_MODEL_K), lambda i: (0, i, 0)),
            pl.BlockSpec((1, B_K, PLEN_K), lambda i: (i, 0, 0)),
        ],
        out_shape=[
            jax.ShapeDtypeStruct((B_K, SEQ_K, D_MODEL_K), jnp.float32),
            jax.ShapeDtypeStruct((NPATCH_K, B_K, PLEN_K), jnp.float32),
        ],
    )(src, ksmt, selt, wrec, brec)


def kernel(src, meta_pattern_pool, W_fuse, b_fuse, W_rec, b_rec, W_gp, b_gp):
    src0 = lax.slice(src, (0, 0, HALF_K), (1, SEQ_K, D_MODEL_K))
    src0 = src0.reshape(NPATCH_K, PLEN_K, HALF_K)
    low = jnp.einsum('ilh,oh->ilo', src0, W_gp) + b_gp
    low = jnp.mean(low, axis=-1)
    scores = (low[:, None, :] * meta_pattern_pool[None, :, :]).sum(axis=2)
    idx = _run_topk(scores)

    pool_pad = jnp.concatenate(
        [meta_pattern_pool,
         jnp.zeros((PNUM_K, 128 - PLEN_K), jnp.float32)], axis=1)
    sel_flat = _run_sc_gather(pool_pad, idx.reshape(_ROWS))[:, :PLEN_K]
    selt = sel_flat.reshape(NPATCH_K, SIM_K, PLEN_K).transpose(0, 2, 1)

    wf3 = W_fuse.reshape(SIM_K, PLEN_K, HALF_K)
    wfp = jnp.concatenate(
        [jnp.zeros((SIM_K, PLEN_K, HALF_K), jnp.float32), wf3], axis=2)
    wfp = wfp.reshape(SIM_K, PLEN_K * D_MODEL_K)
    xfull = src.reshape(B_K * NPATCH_K, PLEN_K * D_MODEL_K)
    key_sm = _run_fuse(xfull, wfp, b_fuse.reshape(1, SIM_K))
    ksmt = key_sm.reshape(B_K, NPATCH_K, SIM_K).transpose(1, 0, 2)

    out, pad = _run_out(src, ksmt, selt, W_rec, b_rec.reshape(1, HALF_K))

    padding_out = jnp.concatenate(
        [jnp.zeros((B_K, SEQ_K), jnp.float32),
         pad.transpose(1, 0, 2).reshape(B_K, SEQ_K)], axis=1)
    return out, padding_out

# --- scband reference (transcript-rebuilt; emitter-appended) ---
"""Pipeline reference for scband-echo-layer-28595892256913 (READ-ONLY COPY).

The authoritative reference and input builder live on the scoring server;
editing this copy changes nothing except your own understanding.
"""

import jax, jax.numpy as jnp
import numpy as np

D_MODEL = 1024
HALF = 512
PATTERN_NUM = 8192
PATTERN_LEN = 64
ENC_SEQ_LEN = 2048
SIM_NUM = 64
BATCH = 16


def setup_inputs(seed: int = 0):
    key = jax.random.key(seed)
    ks = jax.random.split(key, 10)
    src = jax.random.normal(ks[0], (BATCH, ENC_SEQ_LEN, D_MODEL), dtype=jnp.float32)
    meta_pattern_pool = jax.random.normal(ks[1], (PATTERN_NUM, PATTERN_LEN), dtype=jnp.float32)
    s1 = 1.0 / np.sqrt(PATTERN_LEN * HALF)
    W_fuse = jax.random.uniform(ks[2], (SIM_NUM, PATTERN_LEN * HALF), minval=-s1, maxval=s1, dtype=jnp.float32)
    b_fuse = jax.random.uniform(ks[3], (SIM_NUM,), minval=-s1, maxval=s1, dtype=jnp.float32)
    s2 = 1.0 / np.sqrt(SIM_NUM)
    W_rec = jax.random.uniform(ks[4], (HALF, SIM_NUM), minval=-s2, maxval=s2, dtype=jnp.float32)
    b_rec = jax.random.uniform(ks[5], (HALF,), minval=-s2, maxval=s2, dtype=jnp.float32)
    s3 = 1.0 / np.sqrt(HALF)
    W_gp = jax.random.uniform(ks[6], (10, HALF), minval=-s3, maxval=s3, dtype=jnp.float32)
    b_gp = jax.random.uniform(ks[7], (10,), minval=-s3, maxval=s3, dtype=jnp.float32)
    return {"src": src, "meta_pattern_pool": meta_pattern_pool, "W_fuse": W_fuse, "b_fuse": b_fuse, "W_rec": W_rec, "b_rec": b_rec, "W_gp": W_gp, "b_gp": b_gp}


def reference(src, meta_pattern_pool, W_fuse, b_fuse, W_rec, b_rec, W_gp, b_gp):
    B = src.shape[0]
    n_patch = ENC_SEQ_LEN // PATTERN_LEN
    tmp = src[:, :, HALF:].reshape(B, -1)
    patch_tmp = tmp.reshape(B, n_patch, PATTERN_LEN, HALF)
    outs = []
    # torch.empty((B, enc_seq_len)) prefix is uninitialized in the original; use zeros deterministically
    pads = [jnp.zeros((B, ENC_SEQ_LEN), dtype=src.dtype)]
    for i in range(n_patch):
        temp_tmp = patch_tmp[:, i, :, :]
        low = jnp.einsum('blh,oh->blo', temp_tmp, W_gp) + b_gp
        low = jnp.mean(low, axis=-1)
        patch_matrix = low[:, None, :] * meta_pattern_pool[None, :, :]
        patch_sum = patch_matrix.sum(axis=2)
        _, topk_idx = jax.lax.top_k(patch_sum, SIM_NUM)
        selected_rows = meta_pattern_pool[topk_idx[0]]
        test = temp_tmp.reshape(B, PATTERN_LEN * HALF) @ W_fuse.T + b_fuse
        key_sm = jax.nn.softmax(test, axis=1)
        temp = selected_rows.T
        fuse = jnp.einsum('bp,tp->btp', key_sm, temp)
        padding = key_sm @ selected_rows
        pads.append(padding)
        outs.append(jnp.einsum('btp,hp->bth', fuse, W_rec) + b_rec)
    out = jnp.concatenate(outs, axis=1)
    padding_out = jnp.concatenate(pads, axis=-1)
    out = jnp.concatenate([src[:, :, :HALF], out], axis=-1)
    return out, padding_out

if __name__ == "__main__":
    import jax
    _d = setup_inputs()
    print(jax.jit(kernel)(*tuple(_d.values())))

</pallas_src>

<mosaic_0001>
#map = affine_map<(d0, d1) -> (0, 0)>
#map1 = affine_map<(d0, d1) -> (0)>
module attributes {stable_mosaic.version = 14 : i64} {
  func.func @_sc_gather_body(%arg0: i32, %arg1: i32, %arg2: memref<8192x128xf32, #tpu.memory_space<hbm>>, %arg3: memref<2048xi32, #tpu.memory_space<hbm>>, %arg4: memref<2048x128xf32, #tpu.memory_space<hbm>>, %arg5: memref<64xi32, #tpu.memory_space<vmem>>, %arg6: memref<64x128xf32, #tpu.memory_space<vmem>>, %arg7: memref<!tpu.dma_semaphore, #tpu.memory_space<semaphore_mem>>) attributes {dimension_semantics = [#tpu.dimension_semantics<core_parallel>, #tpu.dimension_semantics<subcore_parallel>], iteration_bounds = array<i64: 2, 16>, scalar_prefetch = 0 : i64, scratch_operands = 3 : i64, tpu.core_type = #tpu.core_type<sc_vector_subcore>, window_params = [{transform_indices = #map}, {transform_indices = #map1}, {transform_indices = #map}]} {
    %mul3A = arith.constant 2 : i32
    %mul3A_0 = arith.muli %arg1, %mul3A : i32
    %add3A = arith.addi %mul3A_0, %arg0 : i32
    %mul3A_1 = arith.constant 64 : i32
    %mul3A_2 = arith.muli %add3A, %mul3A_1 : i32
    "tpu.region"() ({
      %run_scoped3A = tpu.sem_alloc : memref<!tpu.dma_semaphore, #tpu.memory_space<semaphore_mem>>
      %dma_start3A_7 = tpu.memref_slice %arg3[%mul3A_2] : memref<2048xi32, #tpu.memory_space<hbm>> -> memref<64xi32, #tpu.memory_space<hbm>>
      %dma_start3A_8 = tpu.memref_slice %arg3[%mul3A_2] : memref<2048xi32, #tpu.memory_space<hbm>> -> memref<64xi32, #tpu.memory_space<hbm>>
      tpu.enqueue_dma source(%dma_start3A_8 : memref<64xi32, #tpu.memory_space<hbm>>) target(%arg5 : memref<64xi32, #tpu.memory_space<vmem>>) target_semaphore(%run_scoped3A : memref<!tpu.dma_semaphore, #tpu.memory_space<semaphore_mem>>)
      %dma_wait3A_9 = tpu.memref_slice %arg3[%mul3A_2] : memref<2048xi32, #tpu.memory_space<hbm>> -> memref<64xi32, #tpu.memory_space<hbm>>
      %dma_wait3A_10 = tpu.memref_slice %arg3[%mul3A_2] : memref<2048xi32, #tpu.memory_space<hbm>> -> memref<64xi32, #tpu.memory_space<hbm>>
      tpu.wait_dma2 semaphore(%run_scoped3A : memref<!tpu.dma_semaphore, #tpu.memory_space<semaphore_mem>>) src(%dma_wait3A_10 : memref<64xi32, #tpu.memory_space<hbm>>) dst(%arg5 : memref<64xi32, #tpu.memory_space<vmem>>)
      tpu.yield
    }) : () -> ()
    %dma_start3A = arith.constant 0 : i32
    %dma_start3A_3 = arith.constant 0 : i32
    %dma_start3A_4 = tpu.memref_slice %arg2[%dma_start3A, %dma_start3A_3] : memref<8192x128xf32, #tpu.memory_space<hbm>> -> memref<8192x128xf32, #tpu.memory_space<hbm>>
    tpu.enqueue_indirect_dma source(%dma_start3A_4 : memref<8192x128xf32, #tpu.memory_space<hbm>>) target(%arg6 : memref<64x128xf32, #tpu.memory_space<vmem>>) offsets(%arg5 : memref<64xi32, #tpu.memory_space<vmem>>) semaphore(%arg7 : memref<!tpu.dma_semaphore, #tpu.memory_space<semaphore_mem>>)
    %dma_wait3A = arith.constant 0 : i32
    %dma_wait3A_5 = arith.constant 0 : i32
    %dma_wait3A_6 = tpu.memref_slice %arg2[%dma_wait3A, %dma_wait3A_5] : memref<8192x128xf32, #tpu.memory_space<hbm>> -> memref<8192x128xf32, #tpu.memory_space<hbm>>
    tpu.wait_indirect_dma semaphore(%arg7 : memref<!tpu.dma_semaphore, #tpu.memory_space<semaphore_mem>>) src(%dma_wait3A_6 : memref<8192x128xf32, #tpu.memory_space<hbm>>) dst(%arg6 : memref<64x128xf32, #tpu.memory_space<vmem>>)
    "tpu.region"() ({
      %run_scoped3A = tpu.sem_alloc : memref<!tpu.dma_semaphore, #tpu.memory_space<semaphore_mem>>
      %dma_start3A_7 = arith.constant 0 : i32
      %dma_start3A_8 = tpu.memref_slice %arg4[%mul3A_2, %dma_start3A_7] : memref<2048x128xf32, #tpu.memory_space<hbm>> -> memref<64x128xf32, #tpu.memory_space<hbm>>
      %dma_start3A_9 = arith.constant 0 : i32
      %dma_start3A_10 = tpu.memref_slice %arg4[%mul3A_2, %dma_start3A_9] : memref<2048x128xf32, #tpu.memory_space<hbm>> -> memref<64x128xf32, #tpu.memory_space<hbm>>
      tpu.enqueue_dma source(%arg6 : memref<64x128xf32, #tpu.memory_space<vmem>>) target(%dma_start3A_10 : memref<64x128xf32, #tpu.memory_space<hbm>>) target_semaphore(%run_scoped3A : memref<!tpu.dma_semaphore, #tpu.memory_space<semaphore_mem>>)
      %dma_wait3A_11 = arith.constant 0 : i32
      %dma_wait3A_12 = tpu.memref_slice %arg4[%mul3A_2, %dma_wait3A_11] : memref<2048x128xf32, #tpu.memory_space<hbm>> -> memref<64x128xf32, #tpu.memory_space<hbm>>
      %dma_wait3A_13 = arith.constant 0 : i32
      %dma_wait3A_14 = tpu.memref_slice %arg4[%mul3A_2, %dma_wait3A_13] : memref<2048x128xf32, #tpu.memory_space<hbm>> -> memref<64x128xf32, #tpu.memory_space<hbm>>
      tpu.wait_dma2 semaphore(%run_scoped3A : memref<!tpu.dma_semaphore, #tpu.memory_space<semaphore_mem>>) src(%arg6 : memref<64x128xf32, #tpu.memory_space<vmem>>) dst(%dma_wait3A_14 : memref<64x128xf32, #tpu.memory_space<hbm>>)
      tpu.yield
    }) : () -> ()
    return
  }
}

module attributes {stable_mosaic.version = 14 : i64} {
  func.func @_topk_body(%arg0: memref<32x8192xf32, #tpu.memory_space<vmem>>, %arg1: memref<32x64xi32, #tpu.memory_space<vmem>>, %arg2: memref<32x8192xf32, #tpu.memory_space<vmem>>) attributes {dimension_semantics = [], scalar_prefetch = 0 : i64, scratch_operands = 1 : i64, tpu.core_type = #tpu.core_type<tc>} {
    %get3A = arith.constant 0 : index
    %get3A_0 = arith.constant 0 : index
    %get3A_1 = vector.load %arg0[%get3A, %get3A_0] : memref<32x8192xf32, #tpu.memory_space<vmem>>, vector<32x8192xf32>
    %swap3A = arith.constant 0 : index
    %swap3A_2 = arith.constant 0 : index
    %swap3A_3 = vector.load %arg2[%swap3A, %swap3A_2] : memref<32x8192xf32, #tpu.memory_space<vmem>>, vector<32x8192xf32>
    tpu.vector_store %arg2[%swap3A, %swap3A_2], %get3A_1 {strides = array<i32>} : memref<32x8192xf32, #tpu.memory_space<vmem>>, vector<32x8192xf32>,
    %iota3A = tpu.iota {dimensions = array<i32: 1>} : vector<32x8192xi32>
    %iota3A_4 = tpu.iota {dimensions = array<i32: 1>} : vector<32x64xi32>
    %broadcast_in_dim3A = arith.constant 0 : i32
    %broadcast_in_dim3A_5 = vector.broadcast %broadcast_in_dim3A : i32 to vector<32x64xi32>
    %scan3A = arith.constant 0 : i32
    %scan3A_6 = arith.constant 64 : i32
    %scan3A_7 = arith.addi %scan3A, %scan3A_6 : i32
    %scan3A_8 = arith.constant 1 : i32
    %scan3A_9 = scf.for %scan3A_14 = %scan3A to %scan3A_7 step %scan3A_8 iter_args(%scan3A_15 = %broadcast_in_dim3A_5) -> (vector<32x64xi32>)  : i32 {
      %get3A_16 = arith.constant 0 : index
      %get3A_17 = arith.constant 0 : index
      %get3A_18 = vector.load %arg2[%get3A_16, %get3A_17] : memref<32x8192xf32, #tpu.memory_space<vmem>>, vector<32x8192xf32>
      %reduce_max3A = arith.constant dense<0xFF800000> : vector<32xf32>
      %reduce_max3A_19 = vector.multi_reduction <maximumf>, %get3A_18, %reduce_max3A [1] : vector<32x8192xf32> to vector<32xf32>
      %broadcast_in_dim3A_20 = vector.shape_cast %reduce_max3A_19 : vector<32xf32> to vector<32x1xf32>
      %eq3A = vector.broadcast %broadcast_in_dim3A_20 : vector<32x1xf32> to vector<32x8192xf32>
      %eq3A_21 = arith.cmpf oeq, %get3A_18, %eq3A : vector<32x8192xf32>
      %jit3A = arith.constant 1073741824 : i32
      %broadcast_in_dim3A_22 = vector.broadcast %jit3A : i32 to vector<32x8192xi32>
      %select_n3A = arith.select %eq3A_21, %iota3A, %broadcast_in_dim3A_22 : vector<32x8192xi1>, vector<32x8192xi32>
      %reduce_min3A = arith.constant dense<2147483647> : vector<32xi32>
      %reduce_min3A_23 = vector.multi_reduction <minsi>, %select_n3A, %reduce_min3A [1] : vector<32x8192xi32> to vector<32xi32>
      %broadcast_in_dim3A_24 = vector.shape_cast %reduce_min3A_23 : vector<32xi32> to vector<32x1xi32>
      %eq3A_25 = vector.broadcast %broadcast_in_dim3A_24 : vector<32x1xi32> to vector<32x8192xi32>
      %eq3A_26 = arith.cmpi eq, %iota3A, %eq3A_25 : vector<32x8192xi32>
      %jit3A_27 = arith.constant 0xFF800000 : f32
      %broadcast_in_dim3A_28 = vector.broadcast %jit3A_27 : f32 to vector<32x8192xf32>
      %select_n3A_29 = arith.select %eq3A_26, %broadcast_in_dim3A_28, %get3A_18 : vector<32x8192xi1>, vector<32x8192xf32>
      %swap3A_30 = arith.constant 0 : index
      %swap3A_31 = arith.constant 0 : index
      %swap3A_32 = vector.load %arg2[%swap3A_30, %swap3A_31] : memref<32x8192xf32, #tpu.memory_space<vmem>>, vector<32x8192xf32>
      tpu.vector_store %arg2[%swap3A_30, %swap3A_31], %select_n3A_29 {strides = array<i32>} : memref<32x8192xf32, #tpu.memory_space<vmem>>, vector<32x8192xf32>,
      %eq3A_33 = vector.broadcast %scan3A_14 : i32 to vector<32x64xi32>
      %eq3A_34 = arith.cmpi eq, %iota3A_4, %eq3A_33 : vector<32x64xi32>
      %broadcast_in_dim3A_35 = vector.shape_cast %broadcast_in_dim3A_24 : vector<32x1xi32> to vector<32x1xi32>
      %broadcast_in_dim3A_36 = vector.broadcast %broadcast_in_dim3A_35 : vector<32x1xi32> to vector<32x64xi32>
      %select_n3A_37 = arith.select %eq3A_34, %broadcast_in_dim3A_36, %scan3A_15 : vector<32x64xi1>, vector<32x64xi32>
      scf.yield %select_n3A_37 : vector<32x64xi32>
    }
    %scan3A_10 = arith.constant 64 : i32
    %swap3A_11 = arith.constant 0 : index
    %swap3A_12 = arith.constant 0 : index
    %swap3A_13 = vector.load %arg1[%swap3A_11, %swap3A_12] : memref<32x64xi32, #tpu.memory_space<vmem>>, vector<32x64xi32>
    tpu.vector_store %arg1[%swap3A_11, %swap3A_12], %scan3A_9 {strides = array<i32>} : memref<32x64xi32, #tpu.memory_space<vmem>>, vector<32x64xi32>,
    return
  }
}

module attributes {stable_mosaic.version = 14 : i64} {
  func.func @_fuse_body(%arg0: i32, %arg1: memref<512x4096xf32, #tpu.memory_space<vmem>>, %arg2: memref<64x4096xf32, #tpu.memory_space<vmem>>, %arg3: memref<1x64xf32, #tpu.memory_space<vmem>>, %arg4: memref<512x64xf32, #tpu.memory_space<vmem>>, %arg5: memref<512x64xf32, #tpu.memory_space<vmem>>) attributes {dimension_semantics = [#tpu.dimension_semantics<arbitrary>], iteration_bounds = array<i64: 16>, scalar_prefetch = 0 : i64, scratch_operands = 1 : i64, tpu.core_type = #tpu.core_type<tc>, window_params = [{transform_indices = @transform_0, window_bounds = array<i64: 512, 4096>}, {transform_indices = @transform_1, window_bounds = array<i64: 64, 4096>}, {pipeline_mode = #tpu.pipeline_mode<synchronous>, transform_indices = @transform_2, window_bounds = array<i64: 1, 64>}, {pipeline_mode = #tpu.pipeline_mode<synchronous>, transform_indices = @transform_3, window_bounds = array<i64: 512, 64>}]} {
    %eq3A = arith.constant 0 : i32
    %eq3A_0 = arith.cmpi eq, %arg0, %eq3A : i32
    %convert_element_type3A = arith.extui %eq3A_0 : i1 to i32
    %cond3A = arith.constant 0 : i32
    %cond3A_1 = arith.cmpi ne, %convert_element_type3A, %cond3A : i32
    scf.if %cond3A_1 {
      %broadcast_in_dim3A = arith.constant 0.000000e+00 : f32
      %broadcast_in_dim3A_18 = vector.broadcast %broadcast_in_dim3A : f32 to vector<512x64xf32>
      %swap3A_19 = arith.constant 0 : index
      %swap3A_20 = arith.constant 0 : index
      %swap3A_21 = vector.load %arg5[%swap3A_19, %swap3A_20] : memref<512x64xf32, #tpu.memory_space<vmem>>, vector<512x64xf32>
      tpu.vector_store %arg5[%swap3A_19, %swap3A_20], %broadcast_in_dim3A_18 {strides = array<i32>} : memref<512x64xf32, #tpu.memory_space<vmem>>, vector<512x64xf32>,
    } else {
    }
    %get3A = arith.constant 0 : index
    %get3A_2 = arith.constant 0 : index
    %get3A_3 = vector.load %arg5[%get3A, %get3A_2] : memref<512x64xf32, #tpu.memory_space<vmem>>, vector<512x64xf32>
    %get3A_4 = arith.constant 0 : index
    %get3A_5 = arith.constant 0 : index
    %get3A_6 = vector.load %arg1[%get3A_4, %get3A_5] : memref<512x4096xf32, #tpu.memory_space<vmem>>, vector<512x4096xf32>
    %get3A_7 = arith.constant 0 : index
    %get3A_8 = arith.constant 0 : index
    %get3A_9 = vector.load %arg2[%get3A_7, %get3A_8] : memref<64x4096xf32, #tpu.memory_space<vmem>>, vector<64x4096xf32>
    %dot_general3A = arith.constant dense<0.000000e+00> : vector<512x64xf32>
    %dot_general3A_10 = tpu.matmul %get3A_6, %get3A_9, %dot_general3A {dimension_numbers = #tpu.dot_dimension_numbers<[1], [1], [0], [0], [0, 0, 1, 0], [], []>, transpose_lhs_hint = false} : vector<512x4096xf32>, vector<64x4096xf32>, vector<512x64xf32> -> vector<512x64xf32>
    %add3A = arith.addf %get3A_3, %dot_general3A_10 : vector<512x64xf32>
    %swap3A = arith.constant 0 : index
    %swap3A_11 = arith.constant 0 : index
    %swap3A_12 = vector.load %arg5[%swap3A, %swap3A_11] : memref<512x64xf32, #tpu.memory_space<vmem>>, vector<512x64xf32>
    tpu.vector_store %arg5[%swap3A, %swap3A_11], %add3A {strides = array<i32>} : memref<512x64xf32, #tpu.memory_space<vmem>>, vector<512x64xf32>,
    %eq3A_13 = arith.constant 15 : i32
    %eq3A_14 = arith.cmpi eq, %arg0, %eq3A_13 : i32
    %convert_element_type3A_15 = arith.extui %eq3A_14 : i1 to i32
    %cond3A_16 = arith.constant 0 : i32
    %cond3A_17 = arith.cmpi ne, %convert_element_type3A_15, %cond3A_16 : i32
    scf.if %cond3A_17 {
      %get3A_18 = arith.constant 0 : index
      %get3A_19 = arith.constant 0 : index
      %get3A_20 = vector.load %arg5[%get3A_18, %get3A_19] : memref<512x64xf32, #tpu.memory_space<vmem>>, vector<512x64xf32>
      %get3A_21 = arith.constant 0 : index
      %get3A_22 = arith.constant 0 : index
      %get3A_23 = vector.load %arg3[%get3A_21, %get3A_22] : memref<1x64xf32, #tpu.memory_space<vmem>>, vector<1x64xf32>
      %add3A_24 = vector.broadcast %get3A_23 : vector<1x64xf32> to vector<512x64xf32>
      %add3A_25 = arith.addf %get3A_20, %add3A_24 : vector<512x64xf32>
      %reduce_max3A = arith.constant dense<0xFF800000> : vector<512xf32>
      %reduce_max3A_26 = vector.multi_reduction <maximumf>, %add3A_25, %reduce_max3A [1] : vector<512x64xf32> to vector<512xf32>
      %broadcast_in_dim3A = vector.shape_cast %reduce_max3A_26 : vector<512xf32> to vector<512x1xf32>
      %sub3A = vector.broadcast %broadcast_in_dim3A : vector<512x1xf32> to vector<512x64xf32>
      %sub3A_27 = arith.subf %add3A_25, %sub3A : vector<512x64xf32>
      %exp3A = math.exp %sub3A_27 : vector<512x64xf32>
      %reduce_sum3A = arith.constant dense<0.000000e+00> : vector<512xf32>
      %reduce_sum3A_28 = vector.multi_reduction <add>, %exp3A, %reduce_sum3A [1] : vector<512x64xf32> to vector<512xf32>
      %broadcast_in_dim3A_29 = vector.shape_cast %reduce_sum3A_28 : vector<512xf32> to vector<512x1xf32>
      %div3A = vector.broadcast %broadcast_in_dim3A_29 : vector<512x1xf32> to vector<512x64xf32>
      %div3A_30 = arith.divf %exp3A, %div3A : vector<512x64xf32>
      %swap3A_31 = arith.constant 0 : index
      %swap3A_32 = arith.constant 0 : index
      %swap3A_33 = vector.load %arg4[%swap3A_31, %swap3A_32] : memref<512x64xf32, #tpu.memory_space<vmem>>, vector<512x64xf32>
      tpu.vector_store %arg4[%swap3A_31, %swap3A_32], %div3A_30 {strides = array<i32>} : memref<512x64xf32, #tpu.memory_space<vmem>>, vector<512x64xf32>,
    } else {
    }
    return
  }
  func.func @transform_0(%arg0: i32) -> (i32, i32) {
    %c0_i32 = arith.constant 0 : i32
    %c0_i32_0 = arith.constant 0 : i32
    return %c0_i32, %arg0 : i32, i32
  }
  func.func @transform_1(%arg0: i32) -> (i32, i32) {
    %c0_i32 = arith.constant 0 : i32
    %c0_i32_0 = arith.constant 0 : i32
    return %c0_i32, %arg0 : i32, i32
  }
  func.func @transform_2(%arg0: i32) -> (i32, i32) {
    %c0_i32 = arith.constant 0 : i32
    %c0_i32_0 = arith.constant 0 : i32
    %c0_i32_1 = arith.constant 0 : i32
    return %c0_i32, %c0_i32_0 : i32, i32
  }
  func.func @transform_3(%arg0: i32) -> (i32, i32) {
    %c0_i32 = arith.constant 0 : i32
    %c0_i32_0 = arith.constant 0 : i32
    %c0_i32_1 = arith.constant 0 : i32
    return %c0_i32, %c0_i32_0 : i32, i32
  }
}

module attributes {stable_mosaic.version = 14 : i64} {
  func.func @_out_body(%arg0: i32, %arg1: memref<16x64x1024xf32, #tpu.memory_space<vmem>>, %arg2: memref<1x16x64xf32, #tpu.memory_space<vmem>>, %arg3: memref<1x64x64xf32, #tpu.memory_space<vmem>>, %arg4: memref<512x64xf32, #tpu.memory_space<vmem>>, %arg5: memref<1x512xf32, #tpu.memory_space<vmem>>, %arg6: memref<16x64x1024xf32, #tpu.memory_space<vmem>>, %arg7: memref<1x16x64xf32, #tpu.memory_space<vmem>>) attributes {dimension_semantics = [#tpu.dimension_semantics<arbitrary>], iteration_bounds = array<i64: 32>, scalar_prefetch = 0 : i64, scratch_operands = 0 : i64, tpu.core_type = #tpu.core_type<tc>, window_params = [{transform_indices = @transform_0, window_bounds = array<i64: 16, 64, 1024>}, {transform_indices = @transform_1, window_bounds = array<i64: 1, 16, 64>}, {transform_indices = @transform_2, window_bounds = array<i64: 1, 64, 64>}, {pipeline_mode = #tpu.pipeline_mode<synchronous>, transform_indices = @transform_3, window_bounds = array<i64: 512, 64>}, {pipeline_mode = #tpu.pipeline_mode<synchronous>, transform_indices = @transform_4, window_bounds = array<i64: 1, 512>}, {transform_indices = @transform_5, window_bounds = array<i64: 16, 64, 1024>}, {transform_indices = @transform_6, window_bounds = array<i64: 1, 16, 64>}]} {
    %get3A = arith.constant 0 : index
    %get3A_0 = arith.constant 0 : index
    %get3A_1 = arith.constant 0 : index
    %get3A_2 = vector.load %arg1[%get3A, %get3A_0, %get3A_1] : memref<16x64x1024xf32, #tpu.memory_space<vmem>>, vector<16x64x512xf32>
    %swap3A = arith.constant 0 : index
    %swap3A_3 = arith.constant 0 : index
    %swap3A_4 = arith.constant 0 : index
    %swap3A_5 = vector.load %arg6[%swap3A, %swap3A_3, %swap3A_4] : memref<16x64x1024xf32, #tpu.memory_space<vmem>>, vector<16x64x512xf32>
    tpu.vector_store %arg6[%swap3A, %swap3A_3, %swap3A_4], %get3A_2 {strides = array<i32>} : memref<16x64x1024xf32, #tpu.memory_space<vmem>>, vector<16x64x512xf32>,
    %get3A_6 = arith.constant 0 : index
    %get3A_7 = arith.constant 0 : index
    %get3A_8 = arith.constant 0 : index
    %get3A_9 = vector.load %arg2[%get3A_6, %get3A_7, %get3A_8] : memref<1x16x64xf32, #tpu.memory_space<vmem>>, vector<1x16x64xf32>
    %get3A_10 = vector.shape_cast %get3A_9 : vector<1x16x64xf32> to vector<16x64xf32>
    %get3A_11 = arith.constant 0 : index
    %get3A_12 = arith.constant 0 : index
    %get3A_13 = arith.constant 0 : index
    %get3A_14 = vector.load %arg3[%get3A_11, %get3A_12, %get3A_13] : memref<1x64x64xf32, #tpu.memory_space<vmem>>, vector<1x64x64xf32>
    %get3A_15 = vector.shape_cast %get3A_14 : vector<1x64x64xf32> to vector<64x64xf32>
    %broadcast_in_dim3A = vector.shape_cast %get3A_10 : vector<16x64xf32> to vector<16x1x64xf32>
    %broadcast_in_dim3A_16 = vector.shape_cast %get3A_15 : vector<64x64xf32> to vector<1x64x64xf32>
    %mul3A = vector.broadcast %broadcast_in_dim3A : vector<16x1x64xf32> to vector<16x64x64xf32>
    %mul3A_17 = vector.broadcast %broadcast_in_dim3A_16 : vector<1x64x64xf32> to vector<16x64x64xf32>
    %mul3A_18 = arith.mulf %mul3A, %mul3A_17 : vector<16x64x64xf32>
    %reshape3A = vector.shape_cast %mul3A_18 : vector<16x64x64xf32> to vector<1024x64xf32>
    %get3A_19 = arith.constant 0 : index
    %get3A_20 = arith.constant 0 : index
    %get3A_21 = vector.load %arg4[%get3A_19, %get3A_20] : memref<512x64xf32, #tpu.memory_space<vmem>>, vector<512x64xf32>
    %dot_general3A = arith.constant dense<0.000000e+00> : vector<1024x512xf32>
    %dot_general3A_22 = tpu.matmul %reshape3A, %get3A_21, %dot_general3A {dimension_numbers = #tpu.dot_dimension_numbers<[1], [1], [0], [0], [0, 0, 1, 0], [], []>, transpose_lhs_hint = false} : vector<1024x64xf32>, vector<512x64xf32>, vector<1024x512xf32> -> vector<1024x512xf32>
    %get3A_23 = arith.constant 0 : index
    %get3A_24 = arith.constant 0 : index
    %get3A_25 = vector.load %arg5[%get3A_23, %get3A_24] : memref<1x512xf32, #tpu.memory_space<vmem>>, vector<1x512xf32>
    %add3A = vector.broadcast %get3A_25 : vector<1x512xf32> to vector<1024x512xf32>
    %add3A_26 = arith.addf %dot_general3A_22, %add3A : vector<1024x512xf32>
    %reshape3A_27 = vector.shape_cast %add3A_26 : vector<1024x512xf32> to vector<16x64x512xf32>
    %swap3A_28 = arith.constant 0 : index
    %swap3A_29 = arith.constant 0 : index
    %swap3A_30 = arith.constant 512 : index
    %swap3A_31 = vector.load %arg6[%swap3A_28, %swap3A_29, %swap3A_30] : memref<16x64x1024xf32, #tpu.memory_space<vmem>>, vector<16x64x512xf32>
    tpu.vector_store %arg6[%swap3A_28, %swap3A_29, %swap3A_30], %reshape3A_27 {strides = array<i32>} : memref<16x64x1024xf32, #tpu.memory_space<vmem>>, vector<16x64x512xf32>,
    %dot_general3A_32 = arith.constant dense<0.000000e+00> : vector<16x64xf32>
    %dot_general3A_33 = tpu.matmul %get3A_10, %get3A_15, %dot_general3A_32 {dimension_numbers = #tpu.dot_dimension_numbers<[1], [1], [0], [0], [0, 0, 1, 0], [], []>, transpose_lhs_hint = false} : vector<16x64xf32>, vector<64x64xf32>, vector<16x64xf32> -> vector<16x64xf32>
    %swap3A_34 = arith.constant 0 : index
    %swap3A_35 = arith.constant 0 : index
    %swap3A_36 = arith.constant 0 : index
    %swap3A_37 = vector.load %arg7[%swap3A_34, %swap3A_35, %swap3A_36] : memref<1x16x64xf32, #tpu.memory_space<vmem>>, vector<1x16x64xf32>
    %swap3A_38 = vector.shape_cast %swap3A_37 : vector<1x16x64xf32> to vector<16x64xf32>
    %swap3A_39 = vector.shape_cast %dot_general3A_33 : vector<16x64xf32> to vector<1x16x64xf32>
    tpu.vector_store %arg7[%swap3A_34, %swap3A_35, %swap3A_36], %swap3A_39 {strides = array<i32>} : memref<1x16x64xf32, #tpu.memory_space<vmem>>, vector<1x16x64xf32>,
    return
  }
  func.func @transform_0(%arg0: i32) -> (i32, i32, i32) {
    %c0_i32 = arith.constant 0 : i32
    %c0_i32_0 = arith.constant 0 : i32
    %c0_i32_1 = arith.constant 0 : i32
    return %c0_i32, %arg0, %c0_i32_0 : i32, i32, i32
  }
  func.func @transform_1(%arg0: i32) -> (i32, i32, i32) {
    %c0_i32 = arith.constant 0 : i32
    %c0_i32_0 = arith.constant 0 : i32
    %c0_i32_1 = arith.constant 0 : i32
    return %arg0, %c0_i32, %c0_i32_0 : i32, i32, i32
  }
  func.func @transform_2(%arg0: i32) -> (i32, i32, i32) {
    %c0_i32 = arith.constant 0 : i32
    %c0_i32_0 = arith.constant 0 : i32
    %c0_i32_1 = arith.constant 0 : i32
    return %arg0, %c0_i32, %c0_i32_0 : i32, i32, i32
  }
  func.func @transform_3(%arg0: i32) -> (i32, i32) {
    %c0_i32 = arith.constant 0 : i32
    %c0_i32_0 = arith.constant 0 : i32
    %c0_i32_1 = arith.constant 0 : i32
    return %c0_i32, %c0_i32_0 : i32, i32
  }
  func.func @transform_4(%arg0: i32) -> (i32, i32) {
    %c0_i32 = arith.constant 0 : i32
    %c0_i32_0 = arith.constant 0 : i32
    %c0_i32_1 = arith.constant 0 : i32
    return %c0_i32, %c0_i32_0 : i32, i32
  }
  func.func @transform_5(%arg0: i32) -> (i32, i32, i32) {
    %c0_i32 = arith.constant 0 : i32
    %c0_i32_0 = arith.constant 0 : i32
    %c0_i32_1 = arith.constant 0 : i32
    return %c0_i32, %arg0, %c0_i32_0 : i32, i32, i32
  }
  func.func @transform_6(%arg0: i32) -> (i32, i32, i32) {
    %c0_i32 = arith.constant 0 : i32
    %c0_i32_0 = arith.constant 0 : i32
    %c0_i32_1 = arith.constant 0 : i32
    return %arg0, %c0_i32, %c0_i32_0 : i32, i32, i32
  }
}

</mosaic_0001>

<sc_bundles>
// kernel: kernel.6.cloned.1.call-start
scs
__scs_entry_jumppad:
0x0: {  	(pc) =	sbr.rel $0x88, $3  }
0x1: {  	(tag) =	ssettag $0x0;
	lr =	simm.s32 $0x1  }
0x2: {  	[smem:$0x3F99] =	sst lr;
	_ =	strace $0xD0000000  }
0x3: {  	_ = 	snop  }
0x4: {  	_ = 	snop  }
0x5: {  	_ = 	snop  }
0x6: {  	_ = 	snop  }
0x7: {  	_ = 	snop  }
__scs_overlays_trampoline_lowered:
0x8: {  	[smem:$0x3FA8] =	sst s0  }
0x9: {  	[smem:$0x3FA9] =	sst s1  }
0xa: {  	[smem:$0x3FAA] =	sst s2  }
0xb: {  	[smem:$0x3FAB] =	sst s3  }
0xc: {  	[smem:$0x3FAC] =	sst s4  }
0xd: {  	[smem:$0x3FAD] =	sst s5  }
0xe: {  	[smem:$0x3FAE] =	sst s6  }
0xf: {  	[smem:$0x3FAF] =	sst s7  }
0x10: {  	[smem:$0x3FB0] =	sst s8  }
0x11: {  	[smem:$0x3FB1] =	sst s9;
	s0 =	simm.s32 @!p0 $0x0  }
0x12: {  	s1 =	sld [smem:$0x3F97];
	s0 =	simm.s32 @p0 $0x1  }
0x13: {  	[smem:$0x3FB2] =	sst s0;
	s0 =	simm.s32 @!p1 $0x0  }
0x14: {  	s2 =	sld [smem:$0x3F96];
	s0 =	simm.s32 @p1 $0x1  }
0x15: {  	[smem:$0x3FB3] =	sst s0;
	s0 =	simm.s32 @!p2 $0x0  }
0x16: {  	s3 =	sld [smem:$0x3FDB];
	s0 =	simm.s32 @p2 $0x1  }
0x17: {  	s4 =	simm.s32 $0x1BF5;
	[smem:$0x3FB5] =	sst s0  }
0x18: {  	s0 =	sld [smem:$0x3F98];
	_ =	swait.ge [sflag:s4], $0x0  }
0x19: {  	s7 =	sld [smem:$0x3F99]  }
0x1a: {  	s8 =	sadd.s32 $0xFFFFE003, lr  }
0x1b: {  	s9 =	sadd.s32 $0xFFFFFEF7, lr;
	s5 =	simm.s32 $0xFFFFFFFF;
	p2 =	slt.u32 s8, $0xFFFFF086  }
0x1c: {  	p1 =	slt.u32 s9, $0xF7A;
	s5 =	simm.s32 @!p2 $0x0  }
0x1d: {  	s5 =	simm.s32 @p1 $0x1;
	p0 =	seq.s32 s7, s2  }
0x1e: {  	s7 =	smul.u32 @!p0 $0xF7A, s2;
	p2 =	seq.s32 @!p0 s5, $0x0  }
0x1f: {  	s9 =	smul.u32 $0xF7A, s1;
	s8 =	simm.s32 @!p0 $0x1BF5;
	p2 =	por !p2, p0  }
0x20: {  	[sflag:s8] =	ssyncset.s32 @!p0 $0xFFFFF086;
	s6 =	sadd.s32 @!p0 s3, s7;
	s7 =	simm.s32 @!p0 $0x108  }
0x21: {  	s3 =	sadd.s32 s3, s9;
	s6 =	sadd.s32 @!p0 $0x88, s6;
	s7 =	simm.s32 @p2 $0x1082  }
0x22: {  	[simem:s7], [sflag:s8] =	dma.local @!p0 [hbm:s6], $0xF7A  }
0x23: {  	s9 =	sor.u32 $0xD0000000, s2;
	s6 =	simm.s32 $0x108;
	_ =	swait.ge @!p0 [sflag:s8], $0x0  }
0x24: {  	s3 =	sadd.s32 $0x88, s3;
	s6 =	simm.s32 @!p1 $0x1082;
	[sflag:s4] =	ssyncset.s32 $0xFFFFF086  }
0x25: {  	[simem:s6], [sflag:s4] =	dma.local [hbm:s3], $0xF7A  }
0x26: {  	[smem:$0x3F99] =	sst s1;
	(tag) =	ssettag s2;
	_ =	strace s9  }
0x27: {  	s1 =	sld [smem:$0x3FA9]  }
0x28: {  	s2 =	sld [smem:$0x3FAA]  }
0x29: {  	s4 =	sld [smem:$0x3FAC]  }
0x2a: {  	p0 =	seq.s32 s5, $0x0;
	s5 =	sld [smem:$0x3FAD]  }
0x2b: {  	s6 =	sld [smem:$0x3FAE]  }
0x2c: {  	s7 =	sld [smem:$0x3FAF]  }
0x2d: {  	s3 =	simm.s32 $0x108;
	s8 =	sld [smem:$0x3FB0]  }
0x2e: {  	s3 =	simm.s32 @!p0 $0x1082;
	s9 =	sld [smem:$0x3FB1]  }
0x2f: {  	lr =	sadd.s32 s0, s3;
	s0 =	sld [smem:$0x3FA8]  }
0x30: {  	s3 =	sld [smem:$0x3FAB]  }
0x31: {  	[smem:$0x3FB4] =	sst s10  }
0x32: {  	s10 =	sld [smem:$0x3FB2];
	_ =	sdelay $0x3  }
0x33: {  	p0 =	seq.s32 s10, $0x1;
	s10 =	sld [smem:$0x3FB4];
	_ =	sdelay $0x3  }
0x34: {  	[smem:$0x3FB4] =	sst s10  }
0x35: {  	s10 =	sld [smem:$0x3FB3];
	_ =	sdelay $0x3  }
0x36: {  	p1 =	seq.s32 s10, $0x1;
	s10 =	sld [smem:$0x3FB4];
	_ =	sdelay $0x3  }
0x37: {  	[smem:$0x3FB4] =	sst s10  }
0x38: {  	s10 =	sld [smem:$0x3FB5]  }
0x39: {  	_ = 	snop;
	(pc) =	sbr.ind lr, $3  }
0x3a: {  	_ = 	snop  }
0x3b: {  	_ = 	snop  }
0x3c: {  	p2 =	seq.s32 s10, $0x1;
	s10 =	sld [smem:$0x3FB4]  }
0x3d: {  	_ =	shalt  }
0x3e: {  	_ =	shalt  }
0x3f: {  	_ =	shalt  }
0x40: {  	_ =	shalt  }
0x41: {  	_ =	shalt  }
0x42: {  	_ =	shalt  }
0x43: {  	_ =	shalt  }
0x44: {  	_ =	shalt  }
0x45: {  	_ =	shalt  }
0x46: {  	_ =	shalt  }
0x47: {  	_ =	shalt  }
0x48: {  	_ =	shalt  }
0x49: {  	_ =	shalt  }
0x4a: {  	_ =	shalt  }
0x4b: {  	_ =	shalt  }
0x4c: {  	_ =	shalt  }
0x4d: {  	_ =	shalt  }
0x4e: {  	_ =	shalt  }
0x4f: {  	_ =	shalt  }
0x50: {  	_ =	shalt  }
0x51: {  	_ =	shalt  }
0x52: {  	_ =	shalt  }
0x53: {  	_ =	shalt  }
0x54: {  	_ =	shalt  }
0x55: {  	_ =	shalt  }
0x56: {  	_ =	shalt  }
0x57: {  	_ =	shalt  }
0x58: {  	_ =	shalt  }
0x59: {  	_ =	shalt  }
0x5a: {  	_ =	shalt  }
0x5b: {  	_ =	shalt  }
0x5c: {  	_ =	shalt  }
0x5d: {  	_ =	shalt  }
0x5e: {  	_ =	shalt  }
0x5f: {  	_ =	shalt  }
0x60: {  	_ =	shalt  }
0x61: {  	_ =	shalt  }
0x62: {  	_ =	shalt  }
0x63: {  	_ =	shalt  }
0x64: {  	_ =	shalt  }
0x65: {  	_ =	shalt  }
0x66: {  	_ =	shalt  }
0x67: {  	_ =	shalt  }
0x68: {  	_ =	shalt  }
0x69: {  	_ =	shalt  }
0x6a: {  	_ =	shalt  }
0x6b: {  	_ =	shalt  }
0x6c: {  	_ =	shalt  }
0x6d: {  	_ =	shalt  }
0x6e: {  	_ =	shalt  }
0x6f: {  	_ =	shalt  }
0x70: {  	_ =	shalt  }
0x71: {  	_ =	shalt  }
0x72: {  	_ =	shalt  }
0x73: {  	_ =	shalt  }
0x74: {  	_ =	shalt  }
0x75: {  	_ =	shalt  }
0x76: {  	_ =	shalt  }
0x77: {  	_ =	shalt  }
0x78: {  	_ =	shalt  }
0x79: {  	_ =	shalt  }
0x7a: {  	_ =	shalt  }
0x7b: {  	_ =	shalt  }
0x7c: {  	_ =	shalt  }
0x7d: {  	_ =	shalt  }
0x7e: {  	_ =	shalt  }
0x7f: {  	_ =	shalt  }
0x80: {  	_ =	shalt  }
0x81: {  	_ =	shalt  }
0x82: {  	_ =	shalt  }
0x83: {  	_ =	shalt  }
0x84: {  	_ =	shalt  }
0x85: {  	_ =	shalt  }
0x86: {  	_ =	shalt  }
0x87: {  	_ =	shalt  }
.Lfunc_end0:
.L_simem_size_0:
called_computation_lowered:
.L_overlay_start_0:
0x88: {  	s2 =	sld [smem:$0x3FD9]  }
0x89: {  	s3 =	sld [smem:$0x3FFE];
	_ =	sdelay $0x1  }
0x8a: {  	s1 =	srdreg.scid  }
0x8b: {  	s0 =	sand.u32 $0x1, s1  }
0x8c: {  	s14 =	sshll.u32 s0, $0xA;
	s2 =	sadd.s32 s3, s2  }
0x8d: {  	s2 =	sadd.s32 s2, s14  }
0x8e: {  	[smem:$0x3FC0] =	sst s2  }
0x8f: {  	_ = 	snop  }
0x90: {  	s2 =	sld [smem:$0x3FD0];
	_ =	sdelay $0x2  }
0x91: {  	s15 =	simm.s32 $0xA;
	s4 =	simm.s32 $0x10  }
0x92: {  	[smem:s4], [sflag:s15] =	dma.local [hbm:s2], $0x1  }
0x93: {  	_ =	swait.eq [sflag:s15], $0x1  }
0x94: {  	[sflag:s15] =	ssyncset.done $0x0  }
0x95: {  	[sflag:s15] =	ssyncadd.s32 $0xFFFFFFFF  }
0x96: {  	s16 =	sld [smem:$0x11];
	(tm) =	ssettm $0x1  }
0x97: {  	s17 =	sld [smem:$0x3FFB];
	_ =	sdelay $0x3  }
0x98: {  	_ =	strace s17  }
0x99: {  	s3 =	sld [smem:$0x3FFC];
	_ =	sdelay $0x3  }
0x9a: {  	_ =	strace s3  }
0x9b: {  	s3 =	sld [smem:$0x3FFD];
	_ =	sdelay $0x3  }
0x9c: {  	_ =	strace s3  }
0x9d: {  	_ =	strace $0x8FFFFFFF  }
0x9e: {  	s18 =	sld [smem:$0x3FDB];
	_ =	sdelay $0x1  }
0x9f: {  	s19 =	simm.s32 $_scs_section_size  }
0xa0: {  	s5 =	simm.s32 $_size__tile_overlayer_lowered;
	s6 =	simm.s32 $_tile_overlayer_lowered  }
0xa1: {  	s22 =	simm.s32 $0x1BFF;
	s21 =	sshll.u32 s6, $0x1;
	s3 =	sadd.s32 s19, s18  }
0xa2: {  	s7 =	simm.s32 $0x0;
	s20 =	sshll.u32 s5, $0x1;
	s5 =	sadd.s32 s21, s3  }
0xa3: {  	[timem:s7], [sflag:s22] =	dma.local [hbm:s5], s20  }
0xa4: {  	_ =	swait.ge [sflag:s22], s20  }
0xa5: {  	s4 =	ssub.s32 $0x0, s20;
	[sflag:s22] =	ssyncset.done $0x0  }
0xa6: {  	[sflag:s22] =	ssyncadd.s32 s4;
	_ =	sdelay $0x1  }
0xa7: {  	s23 =	simm.s32 $0x1B8B  }
0xa8: {  	_ =	swait.ge [sflag:s23], $0x1  }
0xa9: {  	[sflag:s23] =	ssyncset.done $0x0  }
0xaa: {  	s25 =	simm.s32 $0x1B8E;
	s24 =	sld [smem:$0x3FFE];
	[sflag:s23] =	ssyncadd.s32 $0xFFFFFFFF  }
0xab: {  	s26 =	simm.s32 $execute0_lowered;
	[smem:$0x3FD2] =	sst s25  }
0xac: {  	s5 =	sshll.u32 s26, $0x1;
	_ =	strace $0x80000046;
	[dreg:$0x1] =	wrdreg $0xFFFFFFFF  }
0xad: {  	s28 =	simm.s32 $_size_execute0_lowered;
	s3 =	sadd.s32 s3, s5;
	[dreg:$0x0] =	wrdreg $0x0  }
0xae: {  	s5 =	sshll.u32 s28, $0x1;
	[dreg:$0x2] =	wrdreg s3  }
0xaf: {  	[dreg:$0x3] =	wrdreg s5  }
0xb0: {  	[dreg:$0x4] =	wrdreg $0xC0  }
0xb1: {  	_ =	task [dreg:s7], $0x5FFFF  }
0xb2: {  	[dreg:$0x1] =	wrdreg $0xFFFFFFFF  }
0xb3: {  	[dreg:$0x0] =	wrdreg $0x60  }
0xb4: {  	[dreg:$0x2] =	wrdreg s24  }
0xb5: {  	[dreg:$0x3] =	wrdreg s16  }
0xb6: {  	[dreg:$0x4] =	wrdreg $0x9  }
0xb7: {  	_ =	task.clear_ibuf [dreg:s7], $0x5FFFF;
	_ =	strace $0x90000046  }
0xb8: {  	s29 =	simm.s32 $0x9;
	_ =	strace $0x80000048  }
0xb9: {  	_ =	swait.ge [sflag:s29], $0x1  }
0xba: {  	[sflag:s29] =	ssyncadd.s32 $0xFFFFFFFF  }
0xbb: {  	_ =	strace $0x90000048  }
0xbc: {  	_ =	sfence  }
0xbd: {  	s30 =	sld [smem:$0x0];
	_ =	sdelay $0x2  }
0xbe: {  	s31 =	sshll.u32 s1, $0xD;
	s1 =	sshrl.u32 s1, $0x2  }
0xbf: {  	s3 =	sand.u32 $0x4000, s31;
	s1 =	sadd.s32 s1, s30  }
0xc0: {  	s0 =	sor.u32 s3, s0;
	s1 =	sshll.u32 s1, $0x11  }
0xc1: {  	s0 =	sor.u32 s1, s0  }
0xc2: {  	s0 =	sadd.s32 $0x8F2B, s0  }
0xc3: {  	[sflag:s0] =	ssyncadd.remote.s32 $0x1  }
0xc4: {  	_ =	sfence.sel $0xFFFF  }
0xc5: {  	[dreg:$0x0] =	wrdreg $0xFFFFFFFF;
	(pc) =	sbr.abs _section_cstart, $3  }
0xc6: {  	[dreg:$0x1] =	wrdreg $0xFFFFFFFF  }
0xc7: {  	_ =	task.clear_ibuf [dreg:s7], $0x2FFFF;
	_ =	strace $0x9FFFFFFF  }
0xc8: {  	(tm) =	ssettm $0x7FFFFFFF  }
0xc9: {  	_ =	shalt  }
tec
execute0_lowered:
.L_overlay_start_1:
0x0: {  	(tag) =	ssettag $0x1  }
0x1: {  	s1 =	srdreg.scid;
	s9 =	rddreg [dreg:$0x0]  }
0x2: {  	s0 =	stileid.u32;
	s3 =	rddreg [dreg:$0x1]  }
0x3: {  	s2 =	simm.s32 $0x0;
	s7 =	simm.s32 $0x80;
	s6 =	sand.u32 $0x1, s1  }
0x4: {  	s4 =	sshll.u32 s0, $0x7;
	s1 =	rddreg [dreg:$0x2];
	s5 =	sshll.u32 s6, $0x6  }
0x5: {  	s8 =	simm.s32 $0x1;
	[smem:$0x7FF] =	sst s2;
	s10 =	sor.u32 s5, s4  }
0x6: {  	_ =	strace $0x80000047;
	s11 =	ssub.s32 $0x2, s6;
	s4 =	sshrl.u32 s10, $0x3  }
0x7: {  	s6 =	simm.s32 $0x40;
	s4 =	sadd.s32 s3, s4;
	s3 =	simm.s32 $0x2  }
0x8: {  	[tilespmem:s2], [sflag:$0x2] =	stream.linear.gather [hbm4b:s4+s2], $0x40, $0x38;
	[tilespmem:$0x2080] =	vst v63  }
0x9: {  	s5 =	sadd.s32 $0x1200, s9;
	s12 =	sshrl.u32 s11, $0x1;
	_ =	swait.ge [sflag:s3], $0x40  }
0xa: {  	s10 =	sshll.u32 s10, $0x4;
	s31 =	ssub.s32 s11, s12;
	[sflag:s3] =	ssyncset.done $0x0  }
0xb: {  	s9 =	sadd.s32 s10, s9;
	s10 =	smax.u32 s31, $0x1;
	[sflag:s3] =	ssyncadd.s32 $0xFFFFFFC0  }
0xc: {  	[tilespmem:s7], [sflag:$0x1] =	stream.indirect.gather [hbm4b:s5+s6], $0x80, s2, s6, $0xb8;
	[tilespmem:$0x2080] =	vst v63  }
0xd: {  	p0 =	sne.s32 s10, $0x1;
	_ =	swait.ge [sflag:s8], $0x2000  }
.Ltmp0:
0xe: {  	[sflag:s8] =	ssyncset.done $0x0;
	(pc) =	sbr.rel @!p0 .LBB2_2-.Ltmp0, $4  }
0xf: {  	s9 =	sadd.s32 $0x21200, s9;
	[sflag:s8] =	ssyncadd.s32 $0xFFFFE000  }
0x10: {  	[hbm4b:s9+s2] =	stream.linear.scatter [tilespmem:s7], [sflag:$0x2], $0x2000, $0x38;
	[tilespmem:$0x2080] =	vst v63  }
0x11: {  	_ =	swait.ge [sflag:s3], $0x2000  }
0x12: {  	s10 =	sadd.s32 $0xFFFFFFFF, s10;
	[sflag:s3] =	ssyncset.done $0x0  }
.LBB2_1:
0x13: {  	p0 =	sne.s32 s10, $0x1;
	s10 =	sadd.s32 $0xFFFFFFFF, s10;
	[sflag:s3] =	ssyncadd.s32 $0xFFFFE000  }
0x14: {  	[tilespmem:s2], [sflag:$0x2] =	stream.linear.gather [hbm4b:s4+s2], $0x40, $0x38;
	[tilespmem:$0x2080] =	vst v63  }
0x15: {  	_ =	swait.ge [sflag:s3], $0x40  }
0x16: {  	[sflag:s3] =	ssyncset.done $0x0  }
0x17: {  	[sflag:s3] =	ssyncadd.s32 $0xFFFFFFC0  }
0x18: {  	[tilespmem:s7], [sflag:$0x1] =	stream.indirect.gather [hbm4b:s5+s6], $0x80, s2, s6, $0xb8;
	[tilespmem:$0x2080] =	vst v63  }
0x19: {  	_ =	swait.ge [sflag:s8], $0x2000  }
.Ltmp1:
0x1a: {  	[sflag:s8] =	ssyncset.done $0x0;
	(pc) =	sbr.rel @p0 .LBB2_1-.Ltmp1, $4  }
0x1b: {  	[sflag:s8] =	ssyncadd.s32 $0xFFFFE000  }
0x1c: {  	[hbm4b:s9+s2] =	stream.linear.scatter [tilespmem:s7], [sflag:$0x2], $0x2000, $0x38;
	[tilespmem:$0x2080] =	vst v63  }
0x1d: {  	_ =	swait.ge [sflag:s3], $0x2000  }
0x1e: {  	[sflag:s3] =	ssyncset.done $0x0  }
.LBB2_2:
0x1f: {  	[sflag:s3] =	ssyncadd.s32 $0xFFFFE000  }
0x20: {  	_ =	sfence.sel $0x180000  }
0x21: {  	[bflag:$0x0] =	sbarrier.arrive $0xFFFF  }
0x22: {  	p0 =	sne.s32 s0, $0x0;
	_ =	strace $0x90000047  }
0x23: {  	s0 =	sadd.s32 @!p0 $0x100000, s1;
	[bflag:$0x2] =	sbarrier.arrive $0xFFFF  }
0x24: {  	[sflag:s0] =	ssyncadd.tile.s32 @!p0 $0x1;
	_ =	shalt  }
.Lfunc_end2:
_tile_overlayer_lowered:
.L_overlay_start_2:
0x25: {  	(tag) =	ssettag $0x2  }
0x26: {  	s0 =	rddreg [dreg:$0x0];
	s2 =	stileid.u32  }
0x27: {  	s1 =	rddreg [dreg:$0x1];
	p0 =	sne.s32 s2, $0x0  }
0x28: {  	s3 =	rddreg [dreg:$0x2];
	[bflag:$0x3] =	sbarrier.arrive $0xFFFF;
	s2 =	simm.s32 @!p0 $0x1C02  }
0x29: {  	[timem:s3], [sflag:s2] =	dma.local @!p0 [hbm:s0], s1  }
0x2a: {  	s0 =	simm.s32 @!p0 $0x2  }
0x2b: {  	_ =	swait.ge @!p0 [sflag:s0], s1  }
0x2c: {  	s1 =	ssub.s32 @!p0 $0x0, s1;
	[sflag:s0] =	ssyncset.done @!p0 $0x0  }
0x2d: {  	[sflag:s0] =	ssyncadd.s32 @!p0 s1  }
0x2e: {  	[bflag:$0x3] =	sbarrier.arrive $0xFFFF  }
0x2f: {  	_ =	shalt  }

</sc_bundles>
